<compile_context>
chip_gen: v7x
topology: tpu7x:2x2x1
jax: 0.10.2.dev20260603
libtpu: 0.0.44.dev20260713+nightly
codegen_flags: <defaults>
</compile_context>

<pallas_src>
import functools

import jax
import jax.numpy as jnp
from jax import lax
from jax.experimental import pallas as pl
from jax.experimental.pallas import tpu as pltpu
from jax.experimental.pallas import tpu_sc as plsc

_ROWS = 4096
_COLS = 8192
_NPROBE = 128
_NC = 2
_NS = 16
_NW = _NC * _NS
_RPW = _ROWS // _NW
_LANES = 16


def _sc_body(x_hbm, probe_hbm, out_hbm, probe_v, idx_v, buf_v, sem):
    wid = lax.axis_index("s") * _NC + lax.axis_index("c")
    base_row = wid * _RPW

    pltpu.sync_copy(probe_hbm, probe_v)

    for m in range(_NPROBE // _LANES):
        sl = pl.ds(m * _LANES, _LANES)
        c = probe_v[sl]
        probe_v[sl] = ((c >> 7) << 10) + (c & 127)

    def build_fire(k, carry):
        i = base_row + k
        off = (i >> 3) * 65536 + (i & 7) * 128
        for m in range(_NPROBE // _LANES):
            sl = pl.ds(m * _LANES, _LANES)
            idx_v[k, sl] = probe_v[sl] + off
        pltpu.async_copy(x_hbm.at[idx_v.at[k]], buf_v.at[k], sem)
        return carry

    lax.fori_loop(0, _RPW, build_fire, 0, unroll=False)

    pltpu.make_async_copy(
        out_hbm.at[pl.ds(base_row, _RPW)], buf_v, sem
    ).wait()

    pltpu.sync_copy(buf_v, out_hbm.at[pl.ds(base_row, _RPW)])


_sc_gather = functools.partial(
    pl.kernel,
    out_type=jax.ShapeDtypeStruct((_ROWS, _NPROBE), jnp.float32),
    mesh=plsc.VectorSubcoreMesh(
        core_axis_name="c", subcore_axis_name="s",
        num_cores=_NC, num_subcores=_NS,
    ),
    scratch_types=[
        pltpu.VMEM((_NPROBE,), jnp.int32),
        pltpu.VMEM((_RPW, _NPROBE), jnp.int32),
        pltpu.VMEM((_RPW, _NPROBE), jnp.float32),
        pltpu.SemaphoreType.DMA,
    ],
)(_sc_body)


@jax.jit
def kernel(x, probe_idx):
    xflat = (
        x.reshape(_ROWS // 8, 8, _COLS // 128, 128)
        .transpose(0, 2, 1, 3)
        .reshape(_ROWS * _COLS)
    )
    return _sc_gather(xflat, probe_idx.astype(jnp.int32))

# --- scband reference (transcript-rebuilt; emitter-appended) ---
"""Pipeline reference for scband-wave-probe-13838384627858 (READ-ONLY COPY).

The authoritative reference and input builder live on the scoring server;
editing this copy changes nothing except your own understanding.
"""

import jax, jax.numpy as jnp
import numpy as np

PROBE_IDX = np.arange(0, 8192, 64, dtype=np.int32)  # 128 probe locations, matches init_kwargs

def setup_inputs(seed: int = 0) -> dict:
    key = jax.random.key(seed)
    x = jax.random.normal(key, (4096, 8192), dtype=jnp.float32)
    probe_idx = jnp.asarray(PROBE_IDX)
    return {"x": x, "probe_idx": probe_idx}

def reference(x, probe_idx):
    # WaveProbe.forward: return x[:, self.x] -- gather along axis 1 with a fixed index buffer
    return jnp.take(x, probe_idx, axis=1)

if __name__ == "__main__":
    import jax
    _d = setup_inputs()
    print(jax.jit(kernel)(*tuple(_d.values())))

</pallas_src>

<mosaic_0001>
#map = affine_map<(d0, d1) -> (0)>
#map1 = affine_map<(d0, d1) -> (0, 0)>
module attributes {stable_mosaic.version = 14 : i64} {
  func.func @_sc_body(%arg0: i32, %arg1: i32, %arg2: memref<33554432xf32, #tpu.memory_space<hbm>>, %arg3: memref<128xi32, #tpu.memory_space<hbm>>, %arg4: memref<4096x128xf32, #tpu.memory_space<hbm>>, %arg5: memref<128xi32, #tpu.memory_space<vmem>>, %arg6: memref<128x128xi32, #tpu.memory_space<vmem>>, %arg7: memref<128x128xf32, #tpu.memory_space<vmem>>, %arg8: memref<!tpu.dma_semaphore, #tpu.memory_space<semaphore_mem>>) attributes {dimension_semantics = [#tpu.dimension_semantics<core_parallel>, #tpu.dimension_semantics<subcore_parallel>], iteration_bounds = array<i64: 2, 16>, scalar_prefetch = 0 : i64, scratch_operands = 4 : i64, tpu.core_type = #tpu.core_type<sc_vector_subcore>, window_params = [{transform_indices = #map}, {transform_indices = #map}, {transform_indices = #map1}]} {
    %mul3A = arith.constant 2 : i32
    %mul3A_0 = arith.muli %arg1, %mul3A : i32
    %add3A = arith.addi %mul3A_0, %arg0 : i32
    %mul3A_1 = arith.constant 128 : i32
    %mul3A_2 = arith.muli %add3A, %mul3A_1 : i32
    "tpu.region"() ({
      %run_scoped3A = tpu.sem_alloc : memref<!tpu.dma_semaphore, #tpu.memory_space<semaphore_mem>>
      tpu.enqueue_dma source(%arg3 : memref<128xi32, #tpu.memory_space<hbm>>) target(%arg5 : memref<128xi32, #tpu.memory_space<vmem>>) target_semaphore(%run_scoped3A : memref<!tpu.dma_semaphore, #tpu.memory_space<semaphore_mem>>)
      tpu.wait_dma2 semaphore(%run_scoped3A : memref<!tpu.dma_semaphore, #tpu.memory_space<semaphore_mem>>) src(%arg3 : memref<128xi32, #tpu.memory_space<hbm>>) dst(%arg5 : memref<128xi32, #tpu.memory_space<vmem>>)
      tpu.yield
    }) : () -> ()
    %get3A = arith.constant 0 : index
    %get3A_3 = tpu.vector_load %arg5[%get3A] {strides = array<i32>} : memref<128xi32, #tpu.memory_space<vmem>>, vector<16xi32>,
    %get3A_4 = vector.shape_cast %get3A_3 : vector<16xi32> to vector<16xi32>
    %shift_right_arithmetic3A = arith.constant 7 : i32
    %shift_right_arithmetic3A_5 = vector.broadcast %shift_right_arithmetic3A : i32 to vector<16xi32>
    %shift_right_arithmetic3A_6 = arith.shrsi %get3A_4, %shift_right_arithmetic3A_5 : vector<16xi32>
    %shift_left3A = arith.constant 10 : i32
    %shift_left3A_7 = vector.broadcast %shift_left3A : i32 to vector<16xi32>
    %shift_left3A_8 = arith.shli %shift_right_arithmetic3A_6, %shift_left3A_7 : vector<16xi32>
    %and3A = arith.constant 127 : i32
    %and3A_9 = vector.broadcast %and3A : i32 to vector<16xi32>
    %and3A_10 = arith.andi %get3A_4, %and3A_9 : vector<16xi32>
    %add3A_11 = arith.addi %shift_left3A_8, %and3A_10 : vector<16xi32>
    %swap3A = arith.constant 0 : index
    %swap3A_12 = tpu.vector_load %arg5[%swap3A] {strides = array<i32>} : memref<128xi32, #tpu.memory_space<vmem>>, vector<16xi32>,
    %swap3A_13 = vector.shape_cast %swap3A_12 : vector<16xi32> to vector<16xi32>
    %swap3A_14 = vector.shape_cast %add3A_11 : vector<16xi32> to vector<16xi32>
    tpu.vector_store %arg5[%swap3A], %swap3A_14 {strides = array<i32>} : memref<128xi32, #tpu.memory_space<vmem>>, vector<16xi32>,
    %get3A_15 = arith.constant 16 : index
    %get3A_16 = tpu.vector_load %arg5[%get3A_15] {strides = array<i32>} : memref<128xi32, #tpu.memory_space<vmem>>, vector<16xi32>,
    %get3A_17 = vector.shape_cast %get3A_16 : vector<16xi32> to vector<16xi32>
    %shift_right_arithmetic3A_18 = arith.constant 7 : i32
    %shift_right_arithmetic3A_19 = vector.broadcast %shift_right_arithmetic3A_18 : i32 to vector<16xi32>
    %shift_right_arithmetic3A_20 = arith.shrsi %get3A_17, %shift_right_arithmetic3A_19 : vector<16xi32>
    %shift_left3A_21 = arith.constant 10 : i32
    %shift_left3A_22 = vector.broadcast %shift_left3A_21 : i32 to vector<16xi32>
    %shift_left3A_23 = arith.shli %shift_right_arithmetic3A_20, %shift_left3A_22 : vector<16xi32>
    %and3A_24 = arith.constant 127 : i32
    %and3A_25 = vector.broadcast %and3A_24 : i32 to vector<16xi32>
    %and3A_26 = arith.andi %get3A_17, %and3A_25 : vector<16xi32>
    %add3A_27 = arith.addi %shift_left3A_23, %and3A_26 : vector<16xi32>
    %swap3A_28 = arith.constant 16 : index
    %swap3A_29 = tpu.vector_load %arg5[%swap3A_28] {strides = array<i32>} : memref<128xi32, #tpu.memory_space<vmem>>, vector<16xi32>,
    %swap3A_30 = vector.shape_cast %swap3A_29 : vector<16xi32> to vector<16xi32>
    %swap3A_31 = vector.shape_cast %add3A_27 : vector<16xi32> to vector<16xi32>
    tpu.vector_store %arg5[%swap3A_28], %swap3A_31 {strides = array<i32>} : memref<128xi32, #tpu.memory_space<vmem>>, vector<16xi32>,
    %get3A_32 = arith.constant 32 : index
    %get3A_33 = tpu.vector_load %arg5[%get3A_32] {strides = array<i32>} : memref<128xi32, #tpu.memory_space<vmem>>, vector<16xi32>,
    %get3A_34 = vector.shape_cast %get3A_33 : vector<16xi32> to vector<16xi32>
    %shift_right_arithmetic3A_35 = arith.constant 7 : i32
    %shift_right_arithmetic3A_36 = vector.broadcast %shift_right_arithmetic3A_35 : i32 to vector<16xi32>
    %shift_right_arithmetic3A_37 = arith.shrsi %get3A_34, %shift_right_arithmetic3A_36 : vector<16xi32>
    %shift_left3A_38 = arith.constant 10 : i32
    %shift_left3A_39 = vector.broadcast %shift_left3A_38 : i32 to vector<16xi32>
    %shift_left3A_40 = arith.shli %shift_right_arithmetic3A_37, %shift_left3A_39 : vector<16xi32>
    %and3A_41 = arith.constant 127 : i32
    %and3A_42 = vector.broadcast %and3A_41 : i32 to vector<16xi32>
    %and3A_43 = arith.andi %get3A_34, %and3A_42 : vector<16xi32>
    %add3A_44 = arith.addi %shift_left3A_40, %and3A_43 : vector<16xi32>
    %swap3A_45 = arith.constant 32 : index
    %swap3A_46 = tpu.vector_load %arg5[%swap3A_45] {strides = array<i32>} : memref<128xi32, #tpu.memory_space<vmem>>, vector<16xi32>,
    %swap3A_47 = vector.shape_cast %swap3A_46 : vector<16xi32> to vector<16xi32>
    %swap3A_48 = vector.shape_cast %add3A_44 : vector<16xi32> to vector<16xi32>
    tpu.vector_store %arg5[%swap3A_45], %swap3A_48 {strides = array<i32>} : memref<128xi32, #tpu.memory_space<vmem>>, vector<16xi32>,
    %get3A_49 = arith.constant 48 : index
    %get3A_50 = tpu.vector_load %arg5[%get3A_49] {strides = array<i32>} : memref<128xi32, #tpu.memory_space<vmem>>, vector<16xi32>,
    %get3A_51 = vector.shape_cast %get3A_50 : vector<16xi32> to vector<16xi32>
    %shift_right_arithmetic3A_52 = arith.constant 7 : i32
    %shift_right_arithmetic3A_53 = vector.broadcast %shift_right_arithmetic3A_52 : i32 to vector<16xi32>
    %shift_right_arithmetic3A_54 = arith.shrsi %get3A_51, %shift_right_arithmetic3A_53 : vector<16xi32>
    %shift_left3A_55 = arith.constant 10 : i32
    %shift_left3A_56 = vector.broadcast %shift_left3A_55 : i32 to vector<16xi32>
    %shift_left3A_57 = arith.shli %shift_right_arithmetic3A_54, %shift_left3A_56 : vector<16xi32>
    %and3A_58 = arith.constant 127 : i32
    %and3A_59 = vector.broadcast %and3A_58 : i32 to vector<16xi32>
    %and3A_60 = arith.andi %get3A_51, %and3A_59 : vector<16xi32>
    %add3A_61 = arith.addi %shift_left3A_57, %and3A_60 : vector<16xi32>
    %swap3A_62 = arith.constant 48 : index
    %swap3A_63 = tpu.vector_load %arg5[%swap3A_62] {strides = array<i32>} : memref<128xi32, #tpu.memory_space<vmem>>, vector<16xi32>,
    %swap3A_64 = vector.shape_cast %swap3A_63 : vector<16xi32> to vector<16xi32>
    %swap3A_65 = vector.shape_cast %add3A_61 : vector<16xi32> to vector<16xi32>
    tpu.vector_store %arg5[%swap3A_62], %swap3A_65 {strides = array<i32>} : memref<128xi32, #tpu.memory_space<vmem>>, vector<16xi32>,
    %get3A_66 = arith.constant 64 : index
    %get3A_67 = tpu.vector_load %arg5[%get3A_66] {strides = array<i32>} : memref<128xi32, #tpu.memory_space<vmem>>, vector<16xi32>,
    %get3A_68 = vector.shape_cast %get3A_67 : vector<16xi32> to vector<16xi32>
    %shift_right_arithmetic3A_69 = arith.constant 7 : i32
    %shift_right_arithmetic3A_70 = vector.broadcast %shift_right_arithmetic3A_69 : i32 to vector<16xi32>
    %shift_right_arithmetic3A_71 = arith.shrsi %get3A_68, %shift_right_arithmetic3A_70 : vector<16xi32>
    %shift_left3A_72 = arith.constant 10 : i32
    %shift_left3A_73 = vector.broadcast %shift_left3A_72 : i32 to vector<16xi32>
    %shift_left3A_74 = arith.shli %shift_right_arithmetic3A_71, %shift_left3A_73 : vector<16xi32>
    %and3A_75 = arith.constant 127 : i32
    %and3A_76 = vector.broadcast %and3A_75 : i32 to vector<16xi32>
    %and3A_77 = arith.andi %get3A_68, %and3A_76 : vector<16xi32>
    %add3A_78 = arith.addi %shift_left3A_74, %and3A_77 : vector<16xi32>
    %swap3A_79 = arith.constant 64 : index
    %swap3A_80 = tpu.vector_load %arg5[%swap3A_79] {strides = array<i32>} : memref<128xi32, #tpu.memory_space<vmem>>, vector<16xi32>,
    %swap3A_81 = vector.shape_cast %swap3A_80 : vector<16xi32> to vector<16xi32>
    %swap3A_82 = vector.shape_cast %add3A_78 : vector<16xi32> to vector<16xi32>
    tpu.vector_store %arg5[%swap3A_79], %swap3A_82 {strides = array<i32>} : memref<128xi32, #tpu.memory_space<vmem>>, vector<16xi32>,
    %get3A_83 = arith.constant 80 : index
    %get3A_84 = tpu.vector_load %arg5[%get3A_83] {strides = array<i32>} : memref<128xi32, #tpu.memory_space<vmem>>, vector<16xi32>,
    %get3A_85 = vector.shape_cast %get3A_84 : vector<16xi32> to vector<16xi32>
    %shift_right_arithmetic3A_86 = arith.constant 7 : i32
    %shift_right_arithmetic3A_87 = vector.broadcast %shift_right_arithmetic3A_86 : i32 to vector<16xi32>
    %shift_right_arithmetic3A_88 = arith.shrsi %get3A_85, %shift_right_arithmetic3A_87 : vector<16xi32>
    %shift_left3A_89 = arith.constant 10 : i32
    %shift_left3A_90 = vector.broadcast %shift_left3A_89 : i32 to vector<16xi32>
    %shift_left3A_91 = arith.shli %shift_right_arithmetic3A_88, %shift_left3A_90 : vector<16xi32>
    %and3A_92 = arith.constant 127 : i32
    %and3A_93 = vector.broadcast %and3A_92 : i32 to vector<16xi32>
    %and3A_94 = arith.andi %get3A_85, %and3A_93 : vector<16xi32>
    %add3A_95 = arith.addi %shift_left3A_91, %and3A_94 : vector<16xi32>
    %swap3A_96 = arith.constant 80 : index
    %swap3A_97 = tpu.vector_load %arg5[%swap3A_96] {strides = array<i32>} : memref<128xi32, #tpu.memory_space<vmem>>, vector<16xi32>,
    %swap3A_98 = vector.shape_cast %swap3A_97 : vector<16xi32> to vector<16xi32>
    %swap3A_99 = vector.shape_cast %add3A_95 : vector<16xi32> to vector<16xi32>
    tpu.vector_store %arg5[%swap3A_96], %swap3A_99 {strides = array<i32>} : memref<128xi32, #tpu.memory_space<vmem>>, vector<16xi32>,
    %get3A_100 = arith.constant 96 : index
    %get3A_101 = tpu.vector_load %arg5[%get3A_100] {strides = array<i32>} : memref<128xi32, #tpu.memory_space<vmem>>, vector<16xi32>,
    %get3A_102 = vector.shape_cast %get3A_101 : vector<16xi32> to vector<16xi32>
    %shift_right_arithmetic3A_103 = arith.constant 7 : i32
    %shift_right_arithmetic3A_104 = vector.broadcast %shift_right_arithmetic3A_103 : i32 to vector<16xi32>
    %shift_right_arithmetic3A_105 = arith.shrsi %get3A_102, %shift_right_arithmetic3A_104 : vector<16xi32>
    %shift_left3A_106 = arith.constant 10 : i32
    %shift_left3A_107 = vector.broadcast %shift_left3A_106 : i32 to vector<16xi32>
    %shift_left3A_108 = arith.shli %shift_right_arithmetic3A_105, %shift_left3A_107 : vector<16xi32>
    %and3A_109 = arith.constant 127 : i32
    %and3A_110 = vector.broadcast %and3A_109 : i32 to vector<16xi32>
    %and3A_111 = arith.andi %get3A_102, %and3A_110 : vector<16xi32>
    %add3A_112 = arith.addi %shift_left3A_108, %and3A_111 : vector<16xi32>
    %swap3A_113 = arith.constant 96 : index
    %swap3A_114 = tpu.vector_load %arg5[%swap3A_113] {strides = array<i32>} : memref<128xi32, #tpu.memory_space<vmem>>, vector<16xi32>,
    %swap3A_115 = vector.shape_cast %swap3A_114 : vector<16xi32> to vector<16xi32>
    %swap3A_116 = vector.shape_cast %add3A_112 : vector<16xi32> to vector<16xi32>
    tpu.vector_store %arg5[%swap3A_113], %swap3A_116 {strides = array<i32>} : memref<128xi32, #tpu.memory_space<vmem>>, vector<16xi32>,
    %get3A_117 = arith.constant 112 : index
    %get3A_118 = tpu.vector_load %arg5[%get3A_117] {strides = array<i32>} : memref<128xi32, #tpu.memory_space<vmem>>, vector<16xi32>,
    %get3A_119 = vector.shape_cast %get3A_118 : vector<16xi32> to vector<16xi32>
    %shift_right_arithmetic3A_120 = arith.constant 7 : i32
    %shift_right_arithmetic3A_121 = vector.broadcast %shift_right_arithmetic3A_120 : i32 to vector<16xi32>
    %shift_right_arithmetic3A_122 = arith.shrsi %get3A_119, %shift_right_arithmetic3A_121 : vector<16xi32>
    %shift_left3A_123 = arith.constant 10 : i32
    %shift_left3A_124 = vector.broadcast %shift_left3A_123 : i32 to vector<16xi32>
    %shift_left3A_125 = arith.shli %shift_right_arithmetic3A_122, %shift_left3A_124 : vector<16xi32>
    %and3A_126 = arith.constant 127 : i32
    %and3A_127 = vector.broadcast %and3A_126 : i32 to vector<16xi32>
    %and3A_128 = arith.andi %get3A_119, %and3A_127 : vector<16xi32>
    %add3A_129 = arith.addi %shift_left3A_125, %and3A_128 : vector<16xi32>
    %swap3A_130 = arith.constant 112 : index
    %swap3A_131 = tpu.vector_load %arg5[%swap3A_130] {strides = array<i32>} : memref<128xi32, #tpu.memory_space<vmem>>, vector<16xi32>,
    %swap3A_132 = vector.shape_cast %swap3A_131 : vector<16xi32> to vector<16xi32>
    %swap3A_133 = vector.shape_cast %add3A_129 : vector<16xi32> to vector<16xi32>
    tpu.vector_store %arg5[%swap3A_130], %swap3A_133 {strides = array<i32>} : memref<128xi32, #tpu.memory_space<vmem>>, vector<16xi32>,
    %scan3A = arith.constant 0 : i32
    %scan3A_134 = arith.constant 0 : i32
    %scan3A_135 = arith.constant 128 : i32
    %scan3A_136 = arith.addi %scan3A_134, %scan3A_135 : i32
    %scan3A_137 = arith.constant 1 : i32
    scf.for %scan3A_142 = %scan3A_134 to %scan3A_136 step %scan3A_137  : i32 {
      %add3A_143 = arith.addi %mul3A_2, %scan3A_142 : i32
      %shift_right_arithmetic3A_144 = arith.constant 3 : i32
      %shift_right_arithmetic3A_145 = arith.shrsi %add3A_143, %shift_right_arithmetic3A_144 : i32
      %mul3A_146 = arith.constant 65536 : i32
      %mul3A_147 = arith.muli %shift_right_arithmetic3A_145, %mul3A_146 : i32
      %and3A_148 = arith.constant 7 : i32
      %and3A_149 = arith.andi %add3A_143, %and3A_148 : i32
      %mul3A_150 = arith.constant 128 : i32
      %mul3A_151 = arith.muli %and3A_149, %mul3A_150 : i32
      %add3A_152 = arith.addi %mul3A_147, %mul3A_151 : i32
      %get3A_153 = arith.constant 0 : index
      %get3A_154 = tpu.vector_load %arg5[%get3A_153] {strides = array<i32>} : memref<128xi32, #tpu.memory_space<vmem>>, vector<16xi32>,
      %get3A_155 = vector.shape_cast %get3A_154 : vector<16xi32> to vector<16xi32>
      %add3A_156 = vector.broadcast %add3A_152 : i32 to vector<16xi32>
      %add3A_157 = arith.addi %get3A_155, %add3A_156 : vector<16xi32>
      %swap3A_158 = arith.index_cast %scan3A_142 : i32 to index
      %swap3A_159 = arith.constant 0 : index
      %swap3A_160 = tpu.vector_load %arg6[%swap3A_158, %swap3A_159] {strides = array<i32>} : memref<128x128xi32, #tpu.memory_space<vmem>>, vector<1x16xi32>,
      %swap3A_161 = vector.shape_cast %swap3A_160 : vector<1x16xi32> to vector<16xi32>
      %swap3A_162 = vector.shape_cast %add3A_157 : vector<16xi32> to vector<1x16xi32>
      tpu.vector_store %arg6[%swap3A_158, %swap3A_159], %swap3A_162 {strides = array<i32>} : memref<128x128xi32, #tpu.memory_space<vmem>>, vector<1x16xi32>,
      %get3A_163 = arith.constant 16 : index
      %get3A_164 = tpu.vector_load %arg5[%get3A_163] {strides = array<i32>} : memref<128xi32, #tpu.memory_space<vmem>>, vector<16xi32>,
      %get3A_165 = vector.shape_cast %get3A_164 : vector<16xi32> to vector<16xi32>
      %add3A_166 = vector.broadcast %add3A_152 : i32 to vector<16xi32>
      %add3A_167 = arith.addi %get3A_165, %add3A_166 : vector<16xi32>
      %swap3A_168 = arith.index_cast %scan3A_142 : i32 to index
      %swap3A_169 = arith.constant 16 : index
      %swap3A_170 = tpu.vector_load %arg6[%swap3A_168, %swap3A_169] {strides = array<i32>} : memref<128x128xi32, #tpu.memory_space<vmem>>, vector<1x16xi32>,
      %swap3A_171 = vector.shape_cast %swap3A_170 : vector<1x16xi32> to vector<16xi32>
      %swap3A_172 = vector.shape_cast %add3A_167 : vector<16xi32> to vector<1x16xi32>
      tpu.vector_store %arg6[%swap3A_168, %swap3A_169], %swap3A_172 {strides = array<i32>} : memref<128x128xi32, #tpu.memory_space<vmem>>, vector<1x16xi32>,
      %get3A_173 = arith.constant 32 : index
      %get3A_174 = tpu.vector_load %arg5[%get3A_173] {strides = array<i32>} : memref<128xi32, #tpu.memory_space<vmem>>, vector<16xi32>,
      %get3A_175 = vector.shape_cast %get3A_174 : vector<16xi32> to vector<16xi32>
      %add3A_176 = vector.broadcast %add3A_152 : i32 to vector<16xi32>
      %add3A_177 = arith.addi %get3A_175, %add3A_176 : vector<16xi32>
      %swap3A_178 = arith.index_cast %scan3A_142 : i32 to index
      %swap3A_179 = arith.constant 32 : index
      %swap3A_180 = tpu.vector_load %arg6[%swap3A_178, %swap3A_179] {strides = array<i32>} : memref<128x128xi32, #tpu.memory_space<vmem>>, vector<1x16xi32>,
      %swap3A_181 = vector.shape_cast %swap3A_180 : vector<1x16xi32> to vector<16xi32>
      %swap3A_182 = vector.shape_cast %add3A_177 : vector<16xi32> to vector<1x16xi32>
      tpu.vector_store %arg6[%swap3A_178, %swap3A_179], %swap3A_182 {strides = array<i32>} : memref<128x128xi32, #tpu.memory_space<vmem>>, vector<1x16xi32>,
      %get3A_183 = arith.constant 48 : index
      %get3A_184 = tpu.vector_load %arg5[%get3A_183] {strides = array<i32>} : memref<128xi32, #tpu.memory_space<vmem>>, vector<16xi32>,
      %get3A_185 = vector.shape_cast %get3A_184 : vector<16xi32> to vector<16xi32>
      %add3A_186 = vector.broadcast %add3A_152 : i32 to vector<16xi32>
      %add3A_187 = arith.addi %get3A_185, %add3A_186 : vector<16xi32>
      %swap3A_188 = arith.index_cast %scan3A_142 : i32 to index
      %swap3A_189 = arith.constant 48 : index
      %swap3A_190 = tpu.vector_load %arg6[%swap3A_188, %swap3A_189] {strides = array<i32>} : memref<128x128xi32, #tpu.memory_space<vmem>>, vector<1x16xi32>,
      %swap3A_191 = vector.shape_cast %swap3A_190 : vector<1x16xi32> to vector<16xi32>
      %swap3A_192 = vector.shape_cast %add3A_187 : vector<16xi32> to vector<1x16xi32>
      tpu.vector_store %arg6[%swap3A_188, %swap3A_189], %swap3A_192 {strides = array<i32>} : memref<128x128xi32, #tpu.memory_space<vmem>>, vector<1x16xi32>,
      %get3A_193 = arith.constant 64 : index
      %get3A_194 = tpu.vector_load %arg5[%get3A_193] {strides = array<i32>} : memref<128xi32, #tpu.memory_space<vmem>>, vector<16xi32>,
      %get3A_195 = vector.shape_cast %get3A_194 : vector<16xi32> to vector<16xi32>
      %add3A_196 = vector.broadcast %add3A_152 : i32 to vector<16xi32>
      %add3A_197 = arith.addi %get3A_195, %add3A_196 : vector<16xi32>
      %swap3A_198 = arith.index_cast %scan3A_142 : i32 to index
      %swap3A_199 = arith.constant 64 : index
      %swap3A_200 = tpu.vector_load %arg6[%swap3A_198, %swap3A_199] {strides = array<i32>} : memref<128x128xi32, #tpu.memory_space<vmem>>, vector<1x16xi32>,
      %swap3A_201 = vector.shape_cast %swap3A_200 : vector<1x16xi32> to vector<16xi32>
      %swap3A_202 = vector.shape_cast %add3A_197 : vector<16xi32> to vector<1x16xi32>
      tpu.vector_store %arg6[%swap3A_198, %swap3A_199], %swap3A_202 {strides = array<i32>} : memref<128x128xi32, #tpu.memory_space<vmem>>, vector<1x16xi32>,
      %get3A_203 = arith.constant 80 : index
      %get3A_204 = tpu.vector_load %arg5[%get3A_203] {strides = array<i32>} : memref<128xi32, #tpu.memory_space<vmem>>, vector<16xi32>,
      %get3A_205 = vector.shape_cast %get3A_204 : vector<16xi32> to vector<16xi32>
      %add3A_206 = vector.broadcast %add3A_152 : i32 to vector<16xi32>
      %add3A_207 = arith.addi %get3A_205, %add3A_206 : vector<16xi32>
      %swap3A_208 = arith.index_cast %scan3A_142 : i32 to index
      %swap3A_209 = arith.constant 80 : index
      %swap3A_210 = tpu.vector_load %arg6[%swap3A_208, %swap3A_209] {strides = array<i32>} : memref<128x128xi32, #tpu.memory_space<vmem>>, vector<1x16xi32>,
      %swap3A_211 = vector.shape_cast %swap3A_210 : vector<1x16xi32> to vector<16xi32>
      %swap3A_212 = vector.shape_cast %add3A_207 : vector<16xi32> to vector<1x16xi32>
      tpu.vector_store %arg6[%swap3A_208, %swap3A_209], %swap3A_212 {strides = array<i32>} : memref<128x128xi32, #tpu.memory_space<vmem>>, vector<1x16xi32>,
      %get3A_213 = arith.constant 96 : index
      %get3A_214 = tpu.vector_load %arg5[%get3A_213] {strides = array<i32>} : memref<128xi32, #tpu.memory_space<vmem>>, vector<16xi32>,
      %get3A_215 = vector.shape_cast %get3A_214 : vector<16xi32> to vector<16xi32>
      %add3A_216 = vector.broadcast %add3A_152 : i32 to vector<16xi32>
      %add3A_217 = arith.addi %get3A_215, %add3A_216 : vector<16xi32>
      %swap3A_218 = arith.index_cast %scan3A_142 : i32 to index
      %swap3A_219 = arith.constant 96 : index
      %swap3A_220 = tpu.vector_load %arg6[%swap3A_218, %swap3A_219] {strides = array<i32>} : memref<128x128xi32, #tpu.memory_space<vmem>>, vector<1x16xi32>,
      %swap3A_221 = vector.shape_cast %swap3A_220 : vector<1x16xi32> to vector<16xi32>
      %swap3A_222 = vector.shape_cast %add3A_217 : vector<16xi32> to vector<1x16xi32>
      tpu.vector_store %arg6[%swap3A_218, %swap3A_219], %swap3A_222 {strides = array<i32>} : memref<128x128xi32, #tpu.memory_space<vmem>>, vector<1x16xi32>,
      %get3A_223 = arith.constant 112 : index
      %get3A_224 = tpu.vector_load %arg5[%get3A_223] {strides = array<i32>} : memref<128xi32, #tpu.memory_space<vmem>>, vector<16xi32>,
      %get3A_225 = vector.shape_cast %get3A_224 : vector<16xi32> to vector<16xi32>
      %add3A_226 = vector.broadcast %add3A_152 : i32 to vector<16xi32>
      %add3A_227 = arith.addi %get3A_225, %add3A_226 : vector<16xi32>
      %swap3A_228 = arith.index_cast %scan3A_142 : i32 to index
      %swap3A_229 = arith.constant 112 : index
      %swap3A_230 = tpu.vector_load %arg6[%swap3A_228, %swap3A_229] {strides = array<i32>} : memref<128x128xi32, #tpu.memory_space<vmem>>, vector<1x16xi32>,
      %swap3A_231 = vector.shape_cast %swap3A_230 : vector<1x16xi32> to vector<16xi32>
      %swap3A_232 = vector.shape_cast %add3A_227 : vector<16xi32> to vector<1x16xi32>
      tpu.vector_store %arg6[%swap3A_228, %swap3A_229], %swap3A_232 {strides = array<i32>} : memref<128x128xi32, #tpu.memory_space<vmem>>, vector<1x16xi32>,
      %dma_start3A = arith.constant 0 : i32
      %dma_start3A_233 = tpu.memref_slice %arg7[%scan3A_142, %dma_start3A] : memref<128x128xf32, #tpu.memory_space<vmem>> -> memref<1x128xf32, #tpu.memory_space<vmem>>
      %dma_start3A_234 = tpu.memref_squeeze %dma_start3A_233 : memref<1x128xf32, #tpu.memory_space<vmem>> -> memref<128xf32, #tpu.memory_space<vmem>>
      %dma_start3A_235 = arith.constant 0 : i32
      %dma_start3A_236 = tpu.memref_slice %arg6[%scan3A_142, %dma_start3A_235] : memref<128x128xi32, #tpu.memory_space<vmem>> -> memref<1x128xi32, #tpu.memory_space<vmem>>
      %dma_start3A_237 = tpu.memref_squeeze %dma_start3A_236 : memref<1x128xi32, #tpu.memory_space<vmem>> -> memref<128xi32, #tpu.memory_space<vmem>>
      %dma_start3A_238 = arith.constant 0 : i32
      %dma_start3A_239 = tpu.memref_slice %arg2[%dma_start3A_238] : memref<33554432xf32, #tpu.memory_space<hbm>> -> memref<33554432xf32, #tpu.memory_space<hbm>>
      tpu.enqueue_indirect_dma source(%dma_start3A_239 : memref<33554432xf32, #tpu.memory_space<hbm>>) target(%dma_start3A_234 : memref<128xf32, #tpu.memory_space<vmem>>) offsets(%dma_start3A_237 : memref<128xi32, #tpu.memory_space<vmem>>) semaphore(%arg8 : memref<!tpu.dma_semaphore, #tpu.memory_space<semaphore_mem>>)
    }
    %scan3A_138 = arith.constant 128 : i32
    %dma_wait3A = arith.constant 0 : i32
    %dma_wait3A_139 = tpu.memref_slice %arg4[%mul3A_2, %dma_wait3A] : memref<4096x128xf32, #tpu.memory_space<hbm>> -> memref<128x128xf32, #tpu.memory_space<hbm>>
    %dma_wait3A_140 = arith.constant 0 : i32
    %dma_wait3A_141 = tpu.memref_slice %arg4[%mul3A_2, %dma_wait3A_140] : memref<4096x128xf32, #tpu.memory_space<hbm>> -> memref<128x128xf32, #tpu.memory_space<hbm>>
    tpu.wait_dma2 semaphore(%arg8 : memref<!tpu.dma_semaphore, #tpu.memory_space<semaphore_mem>>) src(%dma_wait3A_141 : memref<128x128xf32, #tpu.memory_space<hbm>>) dst(%arg7 : memref<128x128xf32, #tpu.memory_space<vmem>>)
    "tpu.region"() ({
      %run_scoped3A = tpu.sem_alloc : memref<!tpu.dma_semaphore, #tpu.memory_space<semaphore_mem>>
      %dma_start3A = arith.constant 0 : i32
      %dma_start3A_142 = tpu.memref_slice %arg4[%mul3A_2, %dma_start3A] : memref<4096x128xf32, #tpu.memory_space<hbm>> -> memref<128x128xf32, #tpu.memory_space<hbm>>
      %dma_start3A_143 = arith.constant 0 : i32
      %dma_start3A_144 = tpu.memref_slice %arg4[%mul3A_2, %dma_start3A_143] : memref<4096x128xf32, #tpu.memory_space<hbm>> -> memref<128x128xf32, #tpu.memory_space<hbm>>
      tpu.enqueue_dma source(%arg7 : memref<128x128xf32, #tpu.memory_space<vmem>>) target(%dma_start3A_144 : memref<128x128xf32, #tpu.memory_space<hbm>>) target_semaphore(%run_scoped3A : memref<!tpu.dma_semaphore, #tpu.memory_space<semaphore_mem>>)
      %dma_wait3A_145 = arith.constant 0 : i32
      %dma_wait3A_146 = tpu.memref_slice %arg4[%mul3A_2, %dma_wait3A_145] : memref<4096x128xf32, #tpu.memory_space<hbm>> -> memref<128x128xf32, #tpu.memory_space<hbm>>
      %dma_wait3A_147 = arith.constant 0 : i32
      %dma_wait3A_148 = tpu.memref_slice %arg4[%mul3A_2, %dma_wait3A_147] : memref<4096x128xf32, #tpu.memory_space<hbm>> -> memref<128x128xf32, #tpu.memory_space<hbm>>
      tpu.wait_dma2 semaphore(%run_scoped3A : memref<!tpu.dma_semaphore, #tpu.memory_space<semaphore_mem>>) src(%arg7 : memref<128x128xf32, #tpu.memory_space<vmem>>) dst(%dma_wait3A_148 : memref<128x128xf32, #tpu.memory_space<hbm>>)
      tpu.yield
    }) : () -> ()
    return
  }
}

</mosaic_0001>

<sc_bundles>
// kernel: kernel.3.cloned.1.call-start
scs
__scs_entry_jumppad:
0x0: {  	(pc) =	sbr.rel $0x88, $3  }
0x1: {  	(tag) =	ssettag $0x0;
	lr =	simm.s32 $0x1  }
0x2: {  	[smem:$0x3F9F] =	sst lr;
	_ =	strace $0xD0000000  }
0x3: {  	_ = 	snop  }
0x4: {  	_ = 	snop  }
0x5: {  	_ = 	snop  }
0x6: {  	_ = 	snop  }
0x7: {  	_ = 	snop  }
__scs_overlays_trampoline_lowered:
0x8: {  	[smem:$0x3FAE] =	sst s0  }
0x9: {  	[smem:$0x3FAF] =	sst s1  }
0xa: {  	[smem:$0x3FB0] =	sst s2  }
0xb: {  	[smem:$0x3FB1] =	sst s3  }
0xc: {  	[smem:$0x3FB2] =	sst s4  }
0xd: {  	[smem:$0x3FB3] =	sst s5  }
0xe: {  	[smem:$0x3FB4] =	sst s6  }
0xf: {  	[smem:$0x3FB5] =	sst s7  }
0x10: {  	[smem:$0x3FB6] =	sst s8  }
0x11: {  	[smem:$0x3FB7] =	sst s9;
	s0 =	simm.s32 @!p0 $0x0  }
0x12: {  	s1 =	sld [smem:$0x3F9D];
	s0 =	simm.s32 @p0 $0x1  }
0x13: {  	[smem:$0x3FB8] =	sst s0;
	s0 =	simm.s32 @!p1 $0x0  }
0x14: {  	s2 =	sld [smem:$0x3F9C];
	s0 =	simm.s32 @p1 $0x1  }
0x15: {  	[smem:$0x3FB9] =	sst s0;
	s0 =	simm.s32 @!p2 $0x0  }
0x16: {  	s3 =	sld [smem:$0x3FDB];
	s0 =	simm.s32 @p2 $0x1  }
0x17: {  	s4 =	simm.s32 $0x1BF5;
	[smem:$0x3FBB] =	sst s0  }
0x18: {  	s0 =	sld [smem:$0x3F9E];
	_ =	swait.ge [sflag:s4], $0x0  }
0x19: {  	s7 =	sld [smem:$0x3F9F]  }
0x1a: {  	s8 =	sadd.s32 $0xFFFFE003, lr  }
0x1b: {  	s9 =	sadd.s32 $0xFFFFFEF7, lr;
	s5 =	simm.s32 $0xFFFFFFFF;
	p2 =	slt.u32 s8, $0xFFFFF086  }
0x1c: {  	p1 =	slt.u32 s9, $0xF7A;
	s5 =	simm.s32 @!p2 $0x0  }
0x1d: {  	s5 =	simm.s32 @p1 $0x1;
	p0 =	seq.s32 s7, s2  }
0x1e: {  	s7 =	smul.u32 @!p0 $0xF7A, s2;
	p2 =	seq.s32 @!p0 s5, $0x0  }
0x1f: {  	s9 =	smul.u32 $0xF7A, s1;
	s8 =	simm.s32 @!p0 $0x1BF5;
	p2 =	por !p2, p0  }
0x20: {  	[sflag:s8] =	ssyncset.s32 @!p0 $0xFFFFF086;
	s6 =	sadd.s32 @!p0 s3, s7;
	s7 =	simm.s32 @!p0 $0x108  }
0x21: {  	s3 =	sadd.s32 s3, s9;
	s6 =	sadd.s32 @!p0 $0x88, s6;
	s7 =	simm.s32 @p2 $0x1082  }
0x22: {  	[simem:s7], [sflag:s8] =	dma.local @!p0 [hbm:s6], $0xF7A  }
0x23: {  	s9 =	sor.u32 $0xD0000000, s2;
	s6 =	simm.s32 $0x108;
	_ =	swait.ge @!p0 [sflag:s8], $0x0  }
0x24: {  	s3 =	sadd.s32 $0x88, s3;
	s6 =	simm.s32 @!p1 $0x1082;
	[sflag:s4] =	ssyncset.s32 $0xFFFFF086  }
0x25: {  	[simem:s6], [sflag:s4] =	dma.local [hbm:s3], $0xF7A  }
0x26: {  	[smem:$0x3F9F] =	sst s1;
	(tag) =	ssettag s2;
	_ =	strace s9  }
0x27: {  	s1 =	sld [smem:$0x3FAF]  }
0x28: {  	s2 =	sld [smem:$0x3FB0]  }
0x29: {  	s4 =	sld [smem:$0x3FB2]  }
0x2a: {  	p0 =	seq.s32 s5, $0x0;
	s5 =	sld [smem:$0x3FB3]  }
0x2b: {  	s6 =	sld [smem:$0x3FB4]  }
0x2c: {  	s7 =	sld [smem:$0x3FB5]  }
0x2d: {  	s3 =	simm.s32 $0x108;
	s8 =	sld [smem:$0x3FB6]  }
0x2e: {  	s3 =	simm.s32 @!p0 $0x1082;
	s9 =	sld [smem:$0x3FB7]  }
0x2f: {  	lr =	sadd.s32 s0, s3;
	s0 =	sld [smem:$0x3FAE]  }
0x30: {  	s3 =	sld [smem:$0x3FB1]  }
0x31: {  	[smem:$0x3FBA] =	sst s10  }
0x32: {  	s10 =	sld [smem:$0x3FB8];
	_ =	sdelay $0x3  }
0x33: {  	p0 =	seq.s32 s10, $0x1;
	s10 =	sld [smem:$0x3FBA];
	_ =	sdelay $0x3  }
0x34: {  	[smem:$0x3FBA] =	sst s10  }
0x35: {  	s10 =	sld [smem:$0x3FB9];
	_ =	sdelay $0x3  }
0x36: {  	p1 =	seq.s32 s10, $0x1;
	s10 =	sld [smem:$0x3FBA];
	_ =	sdelay $0x3  }
0x37: {  	[smem:$0x3FBA] =	sst s10  }
0x38: {  	s10 =	sld [smem:$0x3FBB]  }
0x39: {  	_ = 	snop;
	(pc) =	sbr.ind lr, $3  }
0x3a: {  	_ = 	snop  }
0x3b: {  	_ = 	snop  }
0x3c: {  	p2 =	seq.s32 s10, $0x1;
	s10 =	sld [smem:$0x3FBA]  }
0x3d: {  	_ =	shalt  }
0x3e: {  	_ =	shalt  }
0x3f: {  	_ =	shalt  }
0x40: {  	_ =	shalt  }
0x41: {  	_ =	shalt  }
0x42: {  	_ =	shalt  }
0x43: {  	_ =	shalt  }
0x44: {  	_ =	shalt  }
0x45: {  	_ =	shalt  }
0x46: {  	_ =	shalt  }
0x47: {  	_ =	shalt  }
0x48: {  	_ =	shalt  }
0x49: {  	_ =	shalt  }
0x4a: {  	_ =	shalt  }
0x4b: {  	_ =	shalt  }
0x4c: {  	_ =	shalt  }
0x4d: {  	_ =	shalt  }
0x4e: {  	_ =	shalt  }
0x4f: {  	_ =	shalt  }
0x50: {  	_ =	shalt  }
0x51: {  	_ =	shalt  }
0x52: {  	_ =	shalt  }
0x53: {  	_ =	shalt  }
0x54: {  	_ =	shalt  }
0x55: {  	_ =	shalt  }
0x56: {  	_ =	shalt  }
0x57: {  	_ =	shalt  }
0x58: {  	_ =	shalt  }
0x59: {  	_ =	shalt  }
0x5a: {  	_ =	shalt  }
0x5b: {  	_ =	shalt  }
0x5c: {  	_ =	shalt  }
0x5d: {  	_ =	shalt  }
0x5e: {  	_ =	shalt  }
0x5f: {  	_ =	shalt  }
0x60: {  	_ =	shalt  }
0x61: {  	_ =	shalt  }
0x62: {  	_ =	shalt  }
0x63: {  	_ =	shalt  }
0x64: {  	_ =	shalt  }
0x65: {  	_ =	shalt  }
0x66: {  	_ =	shalt  }
0x67: {  	_ =	shalt  }
0x68: {  	_ =	shalt  }
0x69: {  	_ =	shalt  }
0x6a: {  	_ =	shalt  }
0x6b: {  	_ =	shalt  }
0x6c: {  	_ =	shalt  }
0x6d: {  	_ =	shalt  }
0x6e: {  	_ =	shalt  }
0x6f: {  	_ =	shalt  }
0x70: {  	_ =	shalt  }
0x71: {  	_ =	shalt  }
0x72: {  	_ =	shalt  }
0x73: {  	_ =	shalt  }
0x74: {  	_ =	shalt  }
0x75: {  	_ =	shalt  }
0x76: {  	_ =	shalt  }
0x77: {  	_ =	shalt  }
0x78: {  	_ =	shalt  }
0x79: {  	_ =	shalt  }
0x7a: {  	_ =	shalt  }
0x7b: {  	_ =	shalt  }
0x7c: {  	_ =	shalt  }
0x7d: {  	_ =	shalt  }
0x7e: {  	_ =	shalt  }
0x7f: {  	_ =	shalt  }
0x80: {  	_ =	shalt  }
0x81: {  	_ =	shalt  }
0x82: {  	_ =	shalt  }
0x83: {  	_ =	shalt  }
0x84: {  	_ =	shalt  }
0x85: {  	_ =	shalt  }
0x86: {  	_ =	shalt  }
0x87: {  	_ =	shalt  }
.Lfunc_end0:
.L_simem_size_0:
called_computation_lowered:
.L_overlay_start_0:
0x88: {  	s2 =	sld [smem:$0x3FD9]  }
0x89: {  	s3 =	sld [smem:$0x3FFE];
	_ =	sdelay $0x1  }
0x8a: {  	s1 =	srdreg.scid  }
0x8b: {  	s0 =	sand.u32 $0x1, s1  }
0x8c: {  	s18 =	sshll.u32 s0, $0xA;
	s2 =	sadd.s32 s3, s2  }
0x8d: {  	s2 =	sadd.s32 s2, s18  }
0x8e: {  	[smem:$0x3FC6] =	sst s2  }
0x8f: {  	_ = 	snop  }
0x90: {  	s2 =	sld [smem:$0x3FC9]  }
0x91: {  	s19 =	sld [smem:$0x3FC8]  }
0x92: {  	s4 =	sld [smem:$0x3FD0];
	(tm) =	ssettm $0x1  }
0x93: {  	s5 =	sld [smem:$0x3FFB];
	_ =	sdelay $0x3  }
0x94: {  	_ =	strace s5  }
0x95: {  	s5 =	sld [smem:$0x3FFC];
	_ =	sdelay $0x3  }
0x96: {  	_ =	strace s5  }
0x97: {  	s5 =	sld [smem:$0x3FFD];
	_ =	sdelay $0x3  }
0x98: {  	_ =	strace s5  }
0x99: {  	_ =	strace $0x8FFFFFFF  }
0x9a: {  	s20 =	sld [smem:$0x3FDB];
	_ =	sdelay $0x1  }
0x9b: {  	s6 =	simm.s32 $_scs_section_size  }
0x9c: {  	s7 =	simm.s32 $_size__tile_overlayer_lowered;
	s8 =	simm.s32 $_tile_overlayer_lowered  }
0x9d: {  	s23 =	simm.s32 $0x1BFF;
	s22 =	sshll.u32 s8, $0x1;
	s5 =	sadd.s32 s6, s20  }
0x9e: {  	s9 =	simm.s32 $0x0;
	s21 =	sshll.u32 s7, $0x1;
	s7 =	sadd.s32 s22, s5  }
0x9f: {  	[timem:s9], [sflag:s23] =	dma.local [hbm:s7], s21  }
0xa0: {  	_ =	swait.ge [sflag:s23], s21  }
0xa1: {  	s6 =	ssub.s32 $0x0, s21;
	[sflag:s23] =	ssyncset.done $0x0  }
0xa2: {  	[sflag:s23] =	ssyncadd.s32 s6;
	_ =	sdelay $0x1  }
0xa3: {  	s24 =	simm.s32 $0x1B8B  }
0xa4: {  	_ =	swait.ge [sflag:s24], $0x1  }
0xa5: {  	[sflag:s24] =	ssyncset.done $0x0  }
0xa6: {  	s25 =	simm.s32 $0x1B8E;
	[sflag:s24] =	ssyncadd.s32 $0xFFFFFFFF  }
0xa7: {  	s26 =	simm.s32 $execute0_lowered;
	[smem:$0x3FD2] =	sst s25  }
0xa8: {  	s6 =	sshll.u32 s26, $0x1;
	_ =	strace $0x80000046;
	[dreg:$0x1] =	wrdreg $0xFFFFFFFF  }
0xa9: {  	s28 =	simm.s32 $_size_execute0_lowered;
	s5 =	sadd.s32 s5, s6;
	[dreg:$0x0] =	wrdreg $0x0  }
0xaa: {  	s6 =	sshll.u32 s28, $0x1;
	[dreg:$0x2] =	wrdreg s5  }
0xab: {  	[dreg:$0x3] =	wrdreg s6  }
0xac: {  	[dreg:$0x4] =	wrdreg $0xC0  }
0xad: {  	_ =	task [dreg:s9], $0x5FFFF  }
0xae: {  	[dreg:$0x1] =	wrdreg $0xFFFFFFFF  }
0xaf: {  	[dreg:$0x0] =	wrdreg $0x60  }
0xb0: {  	[dreg:$0x2] =	wrdreg s2  }
0xb1: {  	[dreg:$0x3] =	wrdreg s19  }
0xb2: {  	[dreg:$0x4] =	wrdreg s4  }
0xb3: {  	[dreg:$0x5] =	wrdreg $0x9  }
0xb4: {  	_ =	task.clear_ibuf [dreg:s9], $0x6FFFF;
	_ =	strace $0x90000046  }
0xb5: {  	s29 =	simm.s32 $0x9;
	_ =	strace $0x80000048  }
0xb6: {  	_ =	swait.ge [sflag:s29], $0x1  }
0xb7: {  	[sflag:s29] =	ssyncadd.s32 $0xFFFFFFFF  }
0xb8: {  	_ =	strace $0x90000048  }
0xb9: {  	_ =	sfence  }
0xba: {  	s30 =	sld [smem:$0x0];
	_ =	sdelay $0x2  }
0xbb: {  	s31 =	sshll.u32 s1, $0xD;
	s1 =	sshrl.u32 s1, $0x2  }
0xbc: {  	s3 =	sand.u32 $0x4000, s31;
	s1 =	sadd.s32 s1, s30  }
0xbd: {  	s0 =	sor.u32 s3, s0;
	s1 =	sshll.u32 s1, $0x11  }
0xbe: {  	s0 =	sor.u32 s1, s0  }
0xbf: {  	s0 =	sadd.s32 $0x8F2B, s0  }
0xc0: {  	[sflag:s0] =	ssyncadd.remote.s32 $0x1  }
0xc1: {  	_ =	sfence.sel $0xFFFF  }
0xc2: {  	[dreg:$0x0] =	wrdreg $0xFFFFFFFF;
	(pc) =	sbr.abs _section_cstart, $3  }
0xc3: {  	[dreg:$0x1] =	wrdreg $0xFFFFFFFF  }
0xc4: {  	_ =	task.clear_ibuf [dreg:s9], $0x2FFFF;
	_ =	strace $0x9FFFFFFF  }
0xc5: {  	(tm) =	ssettm $0x7FFFFFFF  }
tec
execute0_lowered:
.L_overlay_start_1:
0x0: {  	(tag) =	ssettag $0x1  }
0x1: {  	s1 =	rddreg [dreg:$0x0]  }
0x2: {  	s2 =	rddreg [dreg:$0x1]  }
0x3: {  	s5 =	rddreg [dreg:$0x2]  }
0x4: {  	s0 =	rddreg [dreg:$0x3];
	s6 =	srdreg.scid  }
0x5: {  	s4 =	simm.s32 $0x0;
	s3 =	stileid.u32;
	s11 =	simm.s32 $0x4080  }
0x6: {  	s12 =	simm.s32 $0x0;
	s7 =	sand.u32 $0x1, s6;
	s8 =	sshll.u32 s3, $0xC  }
0x7: {  	[smem:$0x7FF] =	sst s4;
	s31 =	sshll.u32 s3, $0x15;
	s6 =	ssub.s32 $0x2, s7  }
0x8: {  	s9 =	sshll.u32 s7, $0xB;
	_ =	strace $0x80000047;
	s7 =	sshll.u32 s7, $0x14  }
0x9: {  	s10 =	sshrl.u32 s6, $0x1;
	s8 =	sor.u32 s9, s8;
	s7 =	sor.u32 s7, s31  }
0xa: {  	s9 =	simm.s32 $0x80;
	s6 =	ssub.s32 s6, s10;
	s5 =	sadd.s32 s5, s8  }
0xb: {  	s8 =	simm.s32 $0x2;
	s10 =	simm.s32 $0x1;
	s6 =	smax.u32 s6, $0x1  }
.LBB2_1:
0xc: {  	[tilespmem:s4], [sflag:$0x2] =	stream.linear.gather [hbm4b:s2+s4], $0x80, $0x38;
	[tilespmem:$0x8080] =	vst v63  }
0xd: {  	_ =	swait.ge [sflag:s8], $0x80  }
0xe: {  	[sflag:s8] =	ssyncset.done $0x0  }
0xf: {  	[sflag:s8] =	ssyncadd.s32 $0xFFFFFF80  }
0x10: {  	v0 =	vld [tilespmem:$0x0]  }
0x11: {  	v1 =	vld [tilespmem:$0x10]  }
0x12: {  	v2 =	vld [tilespmem:$0x20]  }
0x13: {  	v3 =	vld [tilespmem:$0x30]  }
0x14: {  	v5 =	vld [tilespmem:$0x40]  }
0x15: {  	v7 =	vld [tilespmem:$0x50]  }
0x16: {  	v4 =	vshll.u32 v0, $0x3  }
0x17: {  	v46 =	vld [tilespmem:$0x70];
	v0 =	vand.u32 $0x7F, v0;
	v6 =	vshll.u32 v1, $0x3;
	v44 =	vshll.u32 v2, $0x3  }
0x18: {  	v1 =	vand.u32 $0x7F, v1;
	v2 =	vand.u32 $0x7F, v2;
	v45 =	vshll.u32 v3, $0x3  }
0x19: {  	v3 =	vand.u32 $0x7F, v3;
	v48 =	vshll.u32 v5, $0x3;
	v4 =	vand.u32 $0xFFFFFC00, v4  }
0x1a: {  	v8 =	vld [tilespmem:$0x60];
	v50 =	vshll.u32 v7, $0x3;
	v43 =	vand.u32 $0xFFFFFC00, v6;
	v0 =	vor.u32 v0, v4  }
0x1b: {  	v51 =	vand.u32 $0x7F, v5;
	v6 =	vand.u32 $0xFFFFFC00, v44;
	v1 =	vor.u32 v1, v43;
	[tilespmem:$0x0] =	vst v0  }
0x1c: {  	v59 =	vshll.u32 v46, $0x3;
	v49 =	vand.u32 $0xFFFFFC00, v48;
	v2 =	vor.u32 v2, v6;
	[tilespmem:$0x10] =	vst v1  }
0x1d: {  	v61 =	vand.u32 $0x7F, v46;
	v60 =	vand.u32 $0xFFFFFC00, v59;
	v54 =	vor.u32 v51, v49;
	[tilespmem:$0x20] =	vst v2;
	v53 =	vld [tilespmem:$0x0]  }
0x1e: {  	v52 =	vand.u32 $0x7F, v7;
	v47 =	vand.u32 $0xFFFFFC00, v45;
	v62 =	vor.u32 v61, v60;
	[tilespmem:$0x40] =	vst v54  }
0x1f: {  	v56 =	vshll.u32 v8, $0x3;
	v0 =	vor.u32 v3, v47;
	v3 =	vand.u32 $0xFFFFFC00, v50;
	[tilespmem:$0x70] =	vst v62  }
0x20: {  	s13 =	sand.u32 $0x1FF0000, s7;
	s14 =	sand.u32 $0x380, s4;
	v58 =	vand.u32 $0x7F, v8;
	v57 =	vand.u32 $0xFFFFFC00, v56;
	[tilespmem:$0x30] =	vst v0;
	v55 =	vor.u32 v52, v3  }
0x21: {  	s14 =	sor.u32 s14, s13;
	v0 =	vor.u32 v58, v57;
	[tilespmem:$0x50] =	vst v55  }
0x22: {  	[tilespmem:$0x60] =	vst v0;
	v63 =	vadd.s32 s14, v53  }
0x23: {  	[tilespmem:s9+$0x0] =	vst v63  }
0x24: {  	v0 =	vld [tilespmem:$0x10];
	_ =	sdelay $0x4  }
0x25: {  	v0 =	vadd.s32 s14, v0  }
0x26: {  	[tilespmem:s9+$0x10] =	vst v0  }
0x27: {  	v0 =	vld [tilespmem:$0x20];
	_ =	sdelay $0x4  }
0x28: {  	v0 =	vadd.s32 s14, v0  }
0x29: {  	[tilespmem:s9+$0x20] =	vst v0  }
0x2a: {  	v0 =	vld [tilespmem:$0x30];
	_ =	sdelay $0x4  }
0x2b: {  	v0 =	vadd.s32 s14, v0  }
0x2c: {  	[tilespmem:s9+$0x30] =	vst v0  }
0x2d: {  	v0 =	vld [tilespmem:$0x40];
	_ =	sdelay $0x4  }
0x2e: {  	v0 =	vadd.s32 s14, v0  }
0x2f: {  	[tilespmem:s9+$0x40] =	vst v0  }
0x30: {  	v0 =	vld [tilespmem:$0x50];
	_ =	sdelay $0x4  }
0x31: {  	v0 =	vadd.s32 s14, v0  }
0x32: {  	[tilespmem:s9+$0x50] =	vst v0  }
0x33: {  	v0 =	vld [tilespmem:$0x60];
	_ =	sdelay $0x4  }
0x34: {  	v0 =	vadd.s32 s14, v0  }
0x35: {  	[tilespmem:s9+$0x60] =	vst v0  }
0x36: {  	v0 =	vld [tilespmem:$0x70];
	_ =	sdelay $0x4  }
0x37: {  	s15 =	sadd.s32 $0x2000, s7;
	s16 =	simm.s32 $0x100;
	s17 =	simm.s32 $0x4080;
	v0 =	vadd.s32 s14, v0  }
0x38: {  	s18 =	simm.s32 $0x80;
	s13 =	simm.s32 $0x80;
	s14 =	simm.s32 $0x4100;
	[tilespmem:s9+$0x70] =	vst v0  }
.LBB2_2:
0x39: {  	[tilespmem:s17], [sflag:$0x1] =	stream.indirect.gather [hbm4b:s1+s9], $0x1, s18, s9, $0xb8;
	[tilespmem:$0x8080] =	vst v63  }
0x3a: {  	p0 =	sne.s32 s13, $0x3F80;
	s19 =	smov.u32 s13;
	s13 =	sadd.s32 $0x80, s13;
	v0 =	vld [tilespmem:$0x0]  }
0x3b: {  	s17 =	smov.u32 s14;
	s18 =	smov.u32 s16;
	_ =	sdelay $0x1  }
0x3c: {  	s20 =	sand.u32 $0x1FF0000, s15;
	s19 =	sand.u32 $0x380, s19  }
0x3d: {  	s19 =	sor.u32 s19, s20  }
0x3e: {  	v0 =	vadd.s32 s19, v0  }
0x3f: {  	[tilespmem:s16+$0x0] =	vst v0  }
0x40: {  	v0 =	vld [tilespmem:$0x10];
	_ =	sdelay $0x4  }
0x41: {  	v0 =	vadd.s32 s19, v0  }
0x42: {  	[tilespmem:s16+$0x10] =	vst v0  }
0x43: {  	v0 =	vld [tilespmem:$0x20];
	_ =	sdelay $0x4  }
0x44: {  	v0 =	vadd.s32 s19, v0  }
0x45: {  	[tilespmem:s16+$0x20] =	vst v0  }
0x46: {  	v0 =	vld [tilespmem:$0x30];
	_ =	sdelay $0x4  }
0x47: {  	v0 =	vadd.s32 s19, v0  }
0x48: {  	[tilespmem:s16+$0x30] =	vst v0  }
0x49: {  	v0 =	vld [tilespmem:$0x40];
	_ =	sdelay $0x4  }
0x4a: {  	v0 =	vadd.s32 s19, v0  }
0x4b: {  	[tilespmem:s16+$0x40] =	vst v0  }
0x4c: {  	v0 =	vld [tilespmem:$0x50];
	_ =	sdelay $0x4  }
0x4d: {  	v0 =	vadd.s32 s19, v0  }
0x4e: {  	[tilespmem:s16+$0x50] =	vst v0  }
0x4f: {  	v0 =	vld [tilespmem:$0x60];
	_ =	sdelay $0x4  }
0x50: {  	v0 =	vadd.s32 s19, v0  }
0x51: {  	[tilespmem:s16+$0x60] =	vst v0  }
0x52: {  	v0 =	vld [tilespmem:$0x70];
	_ =	sdelay $0x1  }
.Ltmp0:
0x53: {  	(pc) =	sbr.rel @p0 .LBB2_2-.Ltmp0, $3  }
0x54: {  	_ =	sdelay $0x1  }
0x55: {  	v0 =	vadd.s32 s19, v0  }
0x56: {  	s14 =	sadd.s32 $0x80, s14;
	s15 =	sadd.s32 $0x2000, s15;
	s16 =	sadd.s32 $0x80, s16;
	[tilespmem:s18+$0x70] =	vst v0  }
0x57: {  	[tilespmem:s17], [sflag:$0x1] =	stream.indirect.gather [hbm4b:s1+s9], $0x1, s18, s9, $0xb8;
	[tilespmem:$0x8080] =	vst v63  }
0x58: {  	s12 =	sadd.s32 $0x1, s12;
	_ =	swait.ge [sflag:s10], $0x4000  }
0x59: {  	p0 =	sne.s32 s12, s6;
	[sflag:s10] =	ssyncset.done $0x0  }
.Ltmp1:
0x5a: {  	[sflag:s10] =	ssyncadd.s32 $0xFFFFC000;
	(pc) =	sbr.rel @p0 .LBB2_1-.Ltmp1, $4  }
0x5b: {  	[hbm4b:s5+s4] =	stream.linear.scatter [tilespmem:s11], [sflag:$0x2], $0x4000, $0x38;
	[tilespmem:$0x8080] =	vst v63  }
0x5c: {  	_ =	swait.ge [sflag:s8], $0x4000  }
0x5d: {  	[sflag:s8] =	ssyncset.done $0x0  }
0x5e: {  	[sflag:s8] =	ssyncadd.s32 $0xFFFFC000  }
0x5f: {  	_ =	sfence.sel $0x180000  }
0x60: {  	[bflag:$0x0] =	sbarrier.arrive $0xFFFF  }
0x61: {  	p0 =	sne.s32 s3, $0x0;
	_ =	strace $0x90000047  }
0x62: {  	s0 =	sadd.s32 @!p0 $0x100000, s0;
	[bflag:$0x2] =	sbarrier.arrive $0xFFFF  }
0x63: {  	[sflag:s0] =	ssyncadd.tile.s32 @!p0 $0x1;
	_ =	shalt  }
.Lfunc_end2:
_tile_overlayer_lowered:
.L_overlay_start_2:
0x64: {  	(tag) =	ssettag $0x2  }
0x65: {  	s0 =	rddreg [dreg:$0x0];
	s2 =	stileid.u32  }
0x66: {  	s1 =	rddreg [dreg:$0x1];
	p0 =	sne.s32 s2, $0x0  }
0x67: {  	s3 =	rddreg [dreg:$0x2];
	[bflag:$0x3] =	sbarrier.arrive $0xFFFF;
	s2 =	simm.s32 @!p0 $0x1C02  }
0x68: {  	[timem:s3], [sflag:s2] =	dma.local @!p0 [hbm:s0], s1  }
0x69: {  	s0 =	simm.s32 @!p0 $0x2  }
0x6a: {  	_ =	swait.ge @!p0 [sflag:s0], s1  }
0x6b: {  	s1 =	ssub.s32 @!p0 $0x0, s1;
	[sflag:s0] =	ssyncset.done @!p0 $0x0  }
0x6c: {  	[sflag:s0] =	ssyncadd.s32 @!p0 s1  }
0x6d: {  	[bflag:$0x3] =	sbarrier.arrive $0xFFFF  }
0x6e: {  	_ =	shalt  }

</sc_bundles>
